<compile_context>
chip_gen: v7x
topology: tpu7x:2x2x1
jax: 0.10.2.dev20260603
libtpu: 0.0.44.dev20260713+nightly
codegen_flags: <defaults>
</compile_context>

<pallas_src>
import functools

import jax
import jax.numpy as jnp
from jax import lax
from jax.experimental import pallas as pl
from jax.experimental.pallas import tpu as pltpu
from jax.experimental.pallas import tpu_sc as plsc

TYPES_NUM = 100000
DIM = 128

CHUNK = 200
NCHUNK = TYPES_NUM // CHUNK
C0_CHUNKS = 250


@functools.partial(
    pl.kernel,
    mesh=plsc.VectorSubcoreMesh(core_axis_name="c", subcore_axis_name="s"),
    out_type=jax.ShapeDtypeStruct((TYPES_NUM, DIM), jnp.float32),
    scratch_types=[
        pltpu.VMEM((CHUNK, DIM), jnp.float32),
        pltpu.VMEM((CHUNK, DIM), jnp.float32),
        pltpu.SemaphoreType.DMA,
        pltpu.SemaphoreType.DMA,
    ],
)
def _sc_centers(bw_hbm, out_hbm, buf0, buf1, isem0, isem1):
    c = lax.axis_index("c")
    s = lax.axis_index("s")
    base = jnp.where(c == 0, 0, C0_CHUNKS)
    span = jnp.where(c == 0, C0_CHUNKS, NCHUNK - C0_CHUNKS)
    nmine = (span - s + 15) // 16

    def src(k):
        r0 = (base + s + k * 16) * CHUNK
        return bw_hbm.at[pl.ds(r0, CHUNK), pl.ds(0, DIM)]

    def dst(k):
        r0 = (base + s + k * 16) * CHUNK
        return out_hbm.at[pl.ds(r0, CHUNK)]

    pltpu.async_copy(src(0), buf0, isem0)

    def body(p, carry):
        k0 = 2 * p
        k1 = k0 + 1

        pltpu.make_async_copy(src(k0), buf0, isem0).wait()

        @pl.when(k1 < nmine)
        def _():
            pltpu.async_copy(src(k1), buf1, isem1)

        pltpu.sync_copy(buf0, dst(k0))

        @pl.when(k1 < nmine)
        def _():
            pltpu.make_async_copy(src(k1), buf1, isem1).wait()

            @pl.when(k1 + 1 < nmine)
            def _():
                pltpu.async_copy(src(k1 + 1), buf0, isem0)

            pltpu.sync_copy(buf1, dst(k1))

        return carry

    lax.fori_loop(0, (nmine + 1) // 2, body, 0)


ROWS = 1000


def _off_body(x_ref, o_ref):
    o_ref[...] = jnp.maximum(x_ref[...], 0.0) + 1e-6


def kernel(box_weight):
    n = box_weight.shape[0]
    centers = _sc_centers(box_weight)
    offsets = pl.pallas_call(
        _off_body,
        grid=(n // ROWS,),
        in_specs=[pl.BlockSpec((ROWS, DIM), lambda i: (i, 1))],
        out_specs=pl.BlockSpec((ROWS, DIM), lambda i: (i, 0)),
        out_shape=jax.ShapeDtypeStruct((n, DIM), jnp.float32),
    )(box_weight)
    return (centers, offsets)

# --- scband reference (transcript-rebuilt; emitter-appended) ---
"""Pipeline reference for scband-type-box-10668698764121 (READ-ONLY COPY).

The authoritative reference and input builder live on the scoring server;
editing this copy changes nothing except your own understanding.
"""

import jax, jax.numpy as jnp
import numpy as np

TYPES_NUM = 100000
DIM = 128


def setup_inputs(seed: int = 0) -> dict:
    key = jax.random.key(seed)
    # nn.Embedding default init: N(0, 1)
    box_weight = jax.random.normal(key, (TYPES_NUM, 2 * DIM), dtype=jnp.float32)
    return {"box_weight": box_weight}


def reference(box_weight):
    # forward(mode='B4T'):
    #   inputs = arange(num_embeddings)
    #   emb = box_embeddings(inputs)  -> full-table gather
    #   centers, offsets = chunk(emb, 2, dim=-1)
    #   offsets = relu(offsets) + 1e-6
    inputs = jnp.arange(0, TYPES_NUM, dtype=jnp.int32)
    emb = jnp.take(box_weight, inputs, axis=0)
    centers, offsets = jnp.split(emb, 2, axis=-1)
    offsets = jax.nn.relu(offsets) + 1e-06
    return (centers, offsets)

if __name__ == "__main__":
    import jax
    _d = setup_inputs()
    print(jax.jit(kernel)(*tuple(_d.values())))

</pallas_src>

<mosaic_0001>
#map = affine_map<(d0, d1) -> (0, 0)>
module attributes {stable_mosaic.version = 14 : i64} {
  func.func @_sc_centers(%arg0: i32, %arg1: i32, %arg2: memref<100000x256xf32, #tpu.memory_space<hbm>>, %arg3: memref<100000x128xf32, #tpu.memory_space<hbm>>, %arg4: memref<200x128xf32, #tpu.memory_space<vmem>>, %arg5: memref<200x128xf32, #tpu.memory_space<vmem>>, %arg6: memref<!tpu.dma_semaphore, #tpu.memory_space<semaphore_mem>>, %arg7: memref<!tpu.dma_semaphore, #tpu.memory_space<semaphore_mem>>) attributes {dimension_semantics = [#tpu.dimension_semantics<core_parallel>, #tpu.dimension_semantics<subcore_parallel>], iteration_bounds = array<i64: 2, 16>, scalar_prefetch = 0 : i64, scratch_operands = 4 : i64, tpu.core_type = #tpu.core_type<sc_vector_subcore>, window_params = [{transform_indices = #map}, {transform_indices = #map}]} {
    %eq3A = arith.constant 0 : i32
    %eq3A_0 = arith.cmpi eq, %arg0, %eq3A : i32
    %jit3A = arith.constant 0 : i32
    %jit3A_1 = arith.constant 250 : i32
    %select_n3A = arith.select %eq3A_0, %jit3A, %jit3A_1 : i32
    %eq3A_2 = arith.constant 0 : i32
    %eq3A_3 = arith.cmpi eq, %arg0, %eq3A_2 : i32
    %jit3A_4 = arith.constant 250 : i32
    %jit3A_5 = arith.constant 250 : i32
    %select_n3A_6 = arith.select %eq3A_3, %jit3A_4, %jit3A_5 : i32
    %sub3A = arith.subi %select_n3A_6, %arg1 : i32
    %add3A = arith.constant 15 : i32
    %add3A_7 = arith.addi %sub3A, %add3A : i32
    %jit3A_8 = arith.constant 16 : i32
    %div3A = arith.divsi %add3A_7, %jit3A_8 : i32
    %sign3A = arith.constant 0 : i32
    %sign3A_9 = arith.cmpi sgt, %add3A_7, %sign3A : i32
    %sign3A_10 = arith.extui %sign3A_9 : i1 to i32
    %sign3A_11 = arith.constant 0 : i32
    %sign3A_12 = arith.cmpi slt, %add3A_7, %sign3A_11 : i32
    %sign3A_13 = arith.extui %sign3A_12 : i1 to i32
    %sign3A_14 = arith.subi %sign3A_10, %sign3A_13 : i32
    %sign3A_15 = arith.constant 0 : i32
    %sign3A_16 = arith.cmpi sgt, %jit3A_8, %sign3A_15 : i32
    %sign3A_17 = arith.extui %sign3A_16 : i1 to i32
    %sign3A_18 = arith.constant 0 : i32
    %sign3A_19 = arith.cmpi slt, %jit3A_8, %sign3A_18 : i32
    %sign3A_20 = arith.extui %sign3A_19 : i1 to i32
    %sign3A_21 = arith.subi %sign3A_17, %sign3A_20 : i32
    %ne3A = arith.cmpi ne, %sign3A_14, %sign3A_21 : i32
    %rem3A = arith.remsi %add3A_7, %jit3A_8 : i32
    %ne3A_22 = arith.constant 0 : i32
    %ne3A_23 = arith.cmpi ne, %rem3A, %ne3A_22 : i32
    %and3A = arith.andi %ne3A, %ne3A_23 : i1
    %sub3A_24 = arith.constant 1 : i32
    %sub3A_25 = arith.subi %div3A, %sub3A_24 : i32
    %select_n3A_26 = arith.select %and3A, %sub3A_25, %div3A : i32
    %add3A_27 = arith.addi %select_n3A, %arg1 : i32
    %add3A_28 = arith.constant 0 : i32
    %add3A_29 = arith.addi %add3A_27, %add3A_28 : i32
    %mul3A = arith.constant 200 : i32
    %mul3A_30 = arith.muli %add3A_29, %mul3A : i32
    %dma_start3A = arith.constant 0 : i32
    %dma_start3A_31 = tpu.memref_slice %arg2[%mul3A_30, %dma_start3A] : memref<100000x256xf32, #tpu.memory_space<hbm>> -> memref<200x128xf32, #tpu.memory_space<hbm>>
    %dma_start3A_32 = arith.constant 0 : i32
    %dma_start3A_33 = tpu.memref_slice %arg2[%mul3A_30, %dma_start3A_32] : memref<100000x256xf32, #tpu.memory_space<hbm>> -> memref<200x128xf32, #tpu.memory_space<hbm>>
    tpu.enqueue_dma source(%dma_start3A_33 : memref<200x128xf32, #tpu.memory_space<hbm>>) target(%arg4 : memref<200x128xf32, #tpu.memory_space<vmem>>) target_semaphore(%arg6 : memref<!tpu.dma_semaphore, #tpu.memory_space<semaphore_mem>>)
    %add3A_34 = arith.constant 1 : i32
    %add3A_35 = arith.addi %select_n3A_26, %add3A_34 : i32
    %jit3A_36 = arith.constant 2 : i32
    %div3A_37 = arith.divsi %add3A_35, %jit3A_36 : i32
    %sign3A_38 = arith.constant 0 : i32
    %sign3A_39 = arith.cmpi sgt, %add3A_35, %sign3A_38 : i32
    %sign3A_40 = arith.extui %sign3A_39 : i1 to i32
    %sign3A_41 = arith.constant 0 : i32
    %sign3A_42 = arith.cmpi slt, %add3A_35, %sign3A_41 : i32
    %sign3A_43 = arith.extui %sign3A_42 : i1 to i32
    %sign3A_44 = arith.subi %sign3A_40, %sign3A_43 : i32
    %sign3A_45 = arith.constant 0 : i32
    %sign3A_46 = arith.cmpi sgt, %jit3A_36, %sign3A_45 : i32
    %sign3A_47 = arith.extui %sign3A_46 : i1 to i32
    %sign3A_48 = arith.constant 0 : i32
    %sign3A_49 = arith.cmpi slt, %jit3A_36, %sign3A_48 : i32
    %sign3A_50 = arith.extui %sign3A_49 : i1 to i32
    %sign3A_51 = arith.subi %sign3A_47, %sign3A_50 : i32
    %ne3A_52 = arith.cmpi ne, %sign3A_44, %sign3A_51 : i32
    %rem3A_53 = arith.remsi %add3A_35, %jit3A_36 : i32
    %ne3A_54 = arith.constant 0 : i32
    %ne3A_55 = arith.cmpi ne, %rem3A_53, %ne3A_54 : i32
    %and3A_56 = arith.andi %ne3A_52, %ne3A_55 : i1
    %sub3A_57 = arith.constant 1 : i32
    %sub3A_58 = arith.subi %div3A_37, %sub3A_57 : i32
    %select_n3A_59 = arith.select %and3A_56, %sub3A_58, %div3A_37 : i32
    %while3A = arith.constant 0 : i32
    %while3A_60 = arith.constant 0 : i32
    %while3A_61 = arith.subi %select_n3A_59, %while3A_60 : i32
    %while3A_62 = arith.addi %while3A_60, %while3A_61 : i32
    %while3A_63 = arith.constant 1 : i32
    %while3A_64 = arith.divsi %while3A_61, %while3A_63 : i32
    %while3A_65 = arith.muli %while3A_64, %while3A_63 : i32
    %while3A_66 = arith.addi %while3A_60, %while3A_65 : i32
    %while3A_67 = arith.constant 1 : i32
    scf.for %while3A_69 = %while3A_60 to %while3A_66 step %while3A_67  : i32 {
      %mul3A_70 = arith.constant 2 : i32
      %mul3A_71 = arith.muli %mul3A_70, %while3A_69 : i32
      %add3A_72 = arith.constant 1 : i32
      %add3A_73 = arith.addi %mul3A_71, %add3A_72 : i32
      %add3A_74 = arith.addi %select_n3A, %arg1 : i32
      %mul3A_75 = arith.constant 16 : i32
      %mul3A_76 = arith.muli %mul3A_71, %mul3A_75 : i32
      %add3A_77 = arith.addi %add3A_74, %mul3A_76 : i32
      %mul3A_78 = arith.constant 200 : i32
      %mul3A_79 = arith.muli %add3A_77, %mul3A_78 : i32
      %dma_wait3A = arith.constant 0 : i32
      %dma_wait3A_80 = tpu.memref_slice %arg2[%mul3A_79, %dma_wait3A] : memref<100000x256xf32, #tpu.memory_space<hbm>> -> memref<200x128xf32, #tpu.memory_space<hbm>>
      %dma_wait3A_81 = arith.constant 0 : i32
      %dma_wait3A_82 = tpu.memref_slice %arg2[%mul3A_79, %dma_wait3A_81] : memref<100000x256xf32, #tpu.memory_space<hbm>> -> memref<200x128xf32, #tpu.memory_space<hbm>>
      tpu.wait_dma2 semaphore(%arg6 : memref<!tpu.dma_semaphore, #tpu.memory_space<semaphore_mem>>) src(%dma_wait3A_82 : memref<200x128xf32, #tpu.memory_space<hbm>>) dst(%arg4 : memref<200x128xf32, #tpu.memory_space<vmem>>)
      %lt3A = arith.cmpi slt, %add3A_73, %select_n3A_26 : i32
      %convert_element_type3A = arith.extui %lt3A : i1 to i32
      %cond3A = arith.constant 0 : i32
      %cond3A_83 = arith.cmpi ne, %convert_element_type3A, %cond3A : i32
      scf.if %cond3A_83 {
        %add3A_94 = arith.addi %select_n3A, %arg1 : i32
        %mul3A_95 = arith.constant 16 : i32
        %mul3A_96 = arith.muli %add3A_73, %mul3A_95 : i32
        %add3A_97 = arith.addi %add3A_94, %mul3A_96 : i32
        %mul3A_98 = arith.constant 200 : i32
        %mul3A_99 = arith.muli %add3A_97, %mul3A_98 : i32
        %dma_start3A_100 = arith.constant 0 : i32
        %dma_start3A_101 = tpu.memref_slice %arg2[%mul3A_99, %dma_start3A_100] : memref<100000x256xf32, #tpu.memory_space<hbm>> -> memref<200x128xf32, #tpu.memory_space<hbm>>
        %dma_start3A_102 = arith.constant 0 : i32
        %dma_start3A_103 = tpu.memref_slice %arg2[%mul3A_99, %dma_start3A_102] : memref<100000x256xf32, #tpu.memory_space<hbm>> -> memref<200x128xf32, #tpu.memory_space<hbm>>
        tpu.enqueue_dma source(%dma_start3A_103 : memref<200x128xf32, #tpu.memory_space<hbm>>) target(%arg5 : memref<200x128xf32, #tpu.memory_space<vmem>>) target_semaphore(%arg7 : memref<!tpu.dma_semaphore, #tpu.memory_space<semaphore_mem>>)
      } else {
      }
      %add3A_84 = arith.addi %select_n3A, %arg1 : i32
      %mul3A_85 = arith.constant 16 : i32
      %mul3A_86 = arith.muli %mul3A_71, %mul3A_85 : i32
      %add3A_87 = arith.addi %add3A_84, %mul3A_86 : i32
      %mul3A_88 = arith.constant 200 : i32
      %mul3A_89 = arith.muli %add3A_87, %mul3A_88 : i32
      "tpu.region"() ({
        %run_scoped3A = tpu.sem_alloc : memref<!tpu.dma_semaphore, #tpu.memory_space<semaphore_mem>>
        %dma_start3A_94 = arith.constant 0 : i32
        %dma_start3A_95 = tpu.memref_slice %arg3[%mul3A_89, %dma_start3A_94] : memref<100000x128xf32, #tpu.memory_space<hbm>> -> memref<200x128xf32, #tpu.memory_space<hbm>>
        %dma_start3A_96 = arith.constant 0 : i32
        %dma_start3A_97 = tpu.memref_slice %arg3[%mul3A_89, %dma_start3A_96] : memref<100000x128xf32, #tpu.memory_space<hbm>> -> memref<200x128xf32, #tpu.memory_space<hbm>>
        tpu.enqueue_dma source(%arg4 : memref<200x128xf32, #tpu.memory_space<vmem>>) target(%dma_start3A_97 : memref<200x128xf32, #tpu.memory_space<hbm>>) target_semaphore(%run_scoped3A : memref<!tpu.dma_semaphore, #tpu.memory_space<semaphore_mem>>)
        %dma_wait3A_98 = arith.constant 0 : i32
        %dma_wait3A_99 = tpu.memref_slice %arg3[%mul3A_89, %dma_wait3A_98] : memref<100000x128xf32, #tpu.memory_space<hbm>> -> memref<200x128xf32, #tpu.memory_space<hbm>>
        %dma_wait3A_100 = arith.constant 0 : i32
        %dma_wait3A_101 = tpu.memref_slice %arg3[%mul3A_89, %dma_wait3A_100] : memref<100000x128xf32, #tpu.memory_space<hbm>> -> memref<200x128xf32, #tpu.memory_space<hbm>>
        tpu.wait_dma2 semaphore(%run_scoped3A : memref<!tpu.dma_semaphore, #tpu.memory_space<semaphore_mem>>) src(%arg4 : memref<200x128xf32, #tpu.memory_space<vmem>>) dst(%dma_wait3A_101 : memref<200x128xf32, #tpu.memory_space<hbm>>)
        tpu.yield
      }) : () -> ()
      %lt3A_90 = arith.cmpi slt, %add3A_73, %select_n3A_26 : i32
      %convert_element_type3A_91 = arith.extui %lt3A_90 : i1 to i32
      %cond3A_92 = arith.constant 0 : i32
      %cond3A_93 = arith.cmpi ne, %convert_element_type3A_91, %cond3A_92 : i32
      scf.if %cond3A_93 {
        %add3A_94 = arith.addi %select_n3A, %arg1 : i32
        %mul3A_95 = arith.constant 16 : i32
        %mul3A_96 = arith.muli %add3A_73, %mul3A_95 : i32
        %add3A_97 = arith.addi %add3A_94, %mul3A_96 : i32
        %mul3A_98 = arith.constant 200 : i32
        %mul3A_99 = arith.muli %add3A_97, %mul3A_98 : i32
        %dma_wait3A_100 = arith.constant 0 : i32
        %dma_wait3A_101 = tpu.memref_slice %arg2[%mul3A_99, %dma_wait3A_100] : memref<100000x256xf32, #tpu.memory_space<hbm>> -> memref<200x128xf32, #tpu.memory_space<hbm>>
        %dma_wait3A_102 = arith.constant 0 : i32
        %dma_wait3A_103 = tpu.memref_slice %arg2[%mul3A_99, %dma_wait3A_102] : memref<100000x256xf32, #tpu.memory_space<hbm>> -> memref<200x128xf32, #tpu.memory_space<hbm>>
        tpu.wait_dma2 semaphore(%arg7 : memref<!tpu.dma_semaphore, #tpu.memory_space<semaphore_mem>>) src(%dma_wait3A_103 : memref<200x128xf32, #tpu.memory_space<hbm>>) dst(%arg5 : memref<200x128xf32, #tpu.memory_space<vmem>>)
        %add3A_104 = arith.constant 1 : i32
        %add3A_105 = arith.addi %add3A_73, %add3A_104 : i32
        %lt3A_106 = arith.cmpi slt, %add3A_105, %select_n3A_26 : i32
        %convert_element_type3A_107 = arith.extui %lt3A_106 : i1 to i32
        %cond3A_108 = arith.constant 0 : i32
        %cond3A_109 = arith.cmpi ne, %convert_element_type3A_107, %cond3A_108 : i32
        scf.if %cond3A_109 {
          %add3A_116 = arith.constant 1 : i32
          %add3A_117 = arith.addi %add3A_73, %add3A_116 : i32
          %add3A_118 = arith.addi %select_n3A, %arg1 : i32
          %mul3A_119 = arith.constant 16 : i32
          %mul3A_120 = arith.muli %add3A_117, %mul3A_119 : i32
          %add3A_121 = arith.addi %add3A_118, %mul3A_120 : i32
          %mul3A_122 = arith.constant 200 : i32
          %mul3A_123 = arith.muli %add3A_121, %mul3A_122 : i32
          %dma_start3A_124 = arith.constant 0 : i32
          %dma_start3A_125 = tpu.memref_slice %arg2[%mul3A_123, %dma_start3A_124] : memref<100000x256xf32, #tpu.memory_space<hbm>> -> memref<200x128xf32, #tpu.memory_space<hbm>>
          %dma_start3A_126 = arith.constant 0 : i32
          %dma_start3A_127 = tpu.memref_slice %arg2[%mul3A_123, %dma_start3A_126] : memref<100000x256xf32, #tpu.memory_space<hbm>> -> memref<200x128xf32, #tpu.memory_space<hbm>>
          tpu.enqueue_dma source(%dma_start3A_127 : memref<200x128xf32, #tpu.memory_space<hbm>>) target(%arg4 : memref<200x128xf32, #tpu.memory_space<vmem>>) target_semaphore(%arg6 : memref<!tpu.dma_semaphore, #tpu.memory_space<semaphore_mem>>)
        } else {
        }
        %add3A_110 = arith.addi %select_n3A, %arg1 : i32
        %mul3A_111 = arith.constant 16 : i32
        %mul3A_112 = arith.muli %add3A_73, %mul3A_111 : i32
        %add3A_113 = arith.addi %add3A_110, %mul3A_112 : i32
        %mul3A_114 = arith.constant 200 : i32
        %mul3A_115 = arith.muli %add3A_113, %mul3A_114 : i32
        "tpu.region"() ({
          %run_scoped3A = tpu.sem_alloc : memref<!tpu.dma_semaphore, #tpu.memory_space<semaphore_mem>>
          %dma_start3A_116 = arith.constant 0 : i32
          %dma_start3A_117 = tpu.memref_slice %arg3[%mul3A_115, %dma_start3A_116] : memref<100000x128xf32, #tpu.memory_space<hbm>> -> memref<200x128xf32, #tpu.memory_space<hbm>>
          %dma_start3A_118 = arith.constant 0 : i32
          %dma_start3A_119 = tpu.memref_slice %arg3[%mul3A_115, %dma_start3A_118] : memref<100000x128xf32, #tpu.memory_space<hbm>> -> memref<200x128xf32, #tpu.memory_space<hbm>>
          tpu.enqueue_dma source(%arg5 : memref<200x128xf32, #tpu.memory_space<vmem>>) target(%dma_start3A_119 : memref<200x128xf32, #tpu.memory_space<hbm>>) target_semaphore(%run_scoped3A : memref<!tpu.dma_semaphore, #tpu.memory_space<semaphore_mem>>)
          %dma_wait3A_120 = arith.constant 0 : i32
          %dma_wait3A_121 = tpu.memref_slice %arg3[%mul3A_115, %dma_wait3A_120] : memref<100000x128xf32, #tpu.memory_space<hbm>> -> memref<200x128xf32, #tpu.memory_space<hbm>>
          %dma_wait3A_122 = arith.constant 0 : i32
          %dma_wait3A_123 = tpu.memref_slice %arg3[%mul3A_115, %dma_wait3A_122] : memref<100000x128xf32, #tpu.memory_space<hbm>> -> memref<200x128xf32, #tpu.memory_space<hbm>>
          tpu.wait_dma2 semaphore(%run_scoped3A : memref<!tpu.dma_semaphore, #tpu.memory_space<semaphore_mem>>) src(%arg5 : memref<200x128xf32, #tpu.memory_space<vmem>>) dst(%dma_wait3A_123 : memref<200x128xf32, #tpu.memory_space<hbm>>)
          tpu.yield
        }) : () -> ()
      } else {
      }
    }
    %while3A_68 = arith.constant 1 : i32
    scf.for %while3A_69 = %while3A_66 to %while3A_62 step %while3A_68  : i32 {
      %mul3A_70 = arith.constant 2 : i32
      %mul3A_71 = arith.muli %mul3A_70, %while3A_69 : i32
      %add3A_72 = arith.constant 1 : i32
      %add3A_73 = arith.addi %mul3A_71, %add3A_72 : i32
      %add3A_74 = arith.addi %select_n3A, %arg1 : i32
      %mul3A_75 = arith.constant 16 : i32
      %mul3A_76 = arith.muli %mul3A_71, %mul3A_75 : i32
      %add3A_77 = arith.addi %add3A_74, %mul3A_76 : i32
      %mul3A_78 = arith.constant 200 : i32
      %mul3A_79 = arith.muli %add3A_77, %mul3A_78 : i32
      %dma_wait3A = arith.constant 0 : i32
      %dma_wait3A_80 = tpu.memref_slice %arg2[%mul3A_79, %dma_wait3A] : memref<100000x256xf32, #tpu.memory_space<hbm>> -> memref<200x128xf32, #tpu.memory_space<hbm>>
      %dma_wait3A_81 = arith.constant 0 : i32
      %dma_wait3A_82 = tpu.memref_slice %arg2[%mul3A_79, %dma_wait3A_81] : memref<100000x256xf32, #tpu.memory_space<hbm>> -> memref<200x128xf32, #tpu.memory_space<hbm>>
      tpu.wait_dma2 semaphore(%arg6 : memref<!tpu.dma_semaphore, #tpu.memory_space<semaphore_mem>>) src(%dma_wait3A_82 : memref<200x128xf32, #tpu.memory_space<hbm>>) dst(%arg4 : memref<200x128xf32, #tpu.memory_space<vmem>>)
      %lt3A = arith.cmpi slt, %add3A_73, %select_n3A_26 : i32
      %convert_element_type3A = arith.extui %lt3A : i1 to i32
      %cond3A = arith.constant 0 : i32
      %cond3A_83 = arith.cmpi ne, %convert_element_type3A, %cond3A : i32
      scf.if %cond3A_83 {
        %add3A_94 = arith.addi %select_n3A, %arg1 : i32
        %mul3A_95 = arith.constant 16 : i32
        %mul3A_96 = arith.muli %add3A_73, %mul3A_95 : i32
        %add3A_97 = arith.addi %add3A_94, %mul3A_96 : i32
        %mul3A_98 = arith.constant 200 : i32
        %mul3A_99 = arith.muli %add3A_97, %mul3A_98 : i32
        %dma_start3A_100 = arith.constant 0 : i32
        %dma_start3A_101 = tpu.memref_slice %arg2[%mul3A_99, %dma_start3A_100] : memref<100000x256xf32, #tpu.memory_space<hbm>> -> memref<200x128xf32, #tpu.memory_space<hbm>>
        %dma_start3A_102 = arith.constant 0 : i32
        %dma_start3A_103 = tpu.memref_slice %arg2[%mul3A_99, %dma_start3A_102] : memref<100000x256xf32, #tpu.memory_space<hbm>> -> memref<200x128xf32, #tpu.memory_space<hbm>>
        tpu.enqueue_dma source(%dma_start3A_103 : memref<200x128xf32, #tpu.memory_space<hbm>>) target(%arg5 : memref<200x128xf32, #tpu.memory_space<vmem>>) target_semaphore(%arg7 : memref<!tpu.dma_semaphore, #tpu.memory_space<semaphore_mem>>)
      } else {
      }
      %add3A_84 = arith.addi %select_n3A, %arg1 : i32
      %mul3A_85 = arith.constant 16 : i32
      %mul3A_86 = arith.muli %mul3A_71, %mul3A_85 : i32
      %add3A_87 = arith.addi %add3A_84, %mul3A_86 : i32
      %mul3A_88 = arith.constant 200 : i32
      %mul3A_89 = arith.muli %add3A_87, %mul3A_88 : i32
      "tpu.region"() ({
        %run_scoped3A = tpu.sem_alloc : memref<!tpu.dma_semaphore, #tpu.memory_space<semaphore_mem>>
        %dma_start3A_94 = arith.constant 0 : i32
        %dma_start3A_95 = tpu.memref_slice %arg3[%mul3A_89, %dma_start3A_94] : memref<100000x128xf32, #tpu.memory_space<hbm>> -> memref<200x128xf32, #tpu.memory_space<hbm>>
        %dma_start3A_96 = arith.constant 0 : i32
        %dma_start3A_97 = tpu.memref_slice %arg3[%mul3A_89, %dma_start3A_96] : memref<100000x128xf32, #tpu.memory_space<hbm>> -> memref<200x128xf32, #tpu.memory_space<hbm>>
        tpu.enqueue_dma source(%arg4 : memref<200x128xf32, #tpu.memory_space<vmem>>) target(%dma_start3A_97 : memref<200x128xf32, #tpu.memory_space<hbm>>) target_semaphore(%run_scoped3A : memref<!tpu.dma_semaphore, #tpu.memory_space<semaphore_mem>>)
        %dma_wait3A_98 = arith.constant 0 : i32
        %dma_wait3A_99 = tpu.memref_slice %arg3[%mul3A_89, %dma_wait3A_98] : memref<100000x128xf32, #tpu.memory_space<hbm>> -> memref<200x128xf32, #tpu.memory_space<hbm>>
        %dma_wait3A_100 = arith.constant 0 : i32
        %dma_wait3A_101 = tpu.memref_slice %arg3[%mul3A_89, %dma_wait3A_100] : memref<100000x128xf32, #tpu.memory_space<hbm>> -> memref<200x128xf32, #tpu.memory_space<hbm>>
        tpu.wait_dma2 semaphore(%run_scoped3A : memref<!tpu.dma_semaphore, #tpu.memory_space<semaphore_mem>>) src(%arg4 : memref<200x128xf32, #tpu.memory_space<vmem>>) dst(%dma_wait3A_101 : memref<200x128xf32, #tpu.memory_space<hbm>>)
        tpu.yield
      }) : () -> ()
      %lt3A_90 = arith.cmpi slt, %add3A_73, %select_n3A_26 : i32
      %convert_element_type3A_91 = arith.extui %lt3A_90 : i1 to i32
      %cond3A_92 = arith.constant 0 : i32
      %cond3A_93 = arith.cmpi ne, %convert_element_type3A_91, %cond3A_92 : i32
      scf.if %cond3A_93 {
        %add3A_94 = arith.addi %select_n3A, %arg1 : i32
        %mul3A_95 = arith.constant 16 : i32
        %mul3A_96 = arith.muli %add3A_73, %mul3A_95 : i32
        %add3A_97 = arith.addi %add3A_94, %mul3A_96 : i32
        %mul3A_98 = arith.constant 200 : i32
        %mul3A_99 = arith.muli %add3A_97, %mul3A_98 : i32
        %dma_wait3A_100 = arith.constant 0 : i32
        %dma_wait3A_101 = tpu.memref_slice %arg2[%mul3A_99, %dma_wait3A_100] : memref<100000x256xf32, #tpu.memory_space<hbm>> -> memref<200x128xf32, #tpu.memory_space<hbm>>
        %dma_wait3A_102 = arith.constant 0 : i32
        %dma_wait3A_103 = tpu.memref_slice %arg2[%mul3A_99, %dma_wait3A_102] : memref<100000x256xf32, #tpu.memory_space<hbm>> -> memref<200x128xf32, #tpu.memory_space<hbm>>
        tpu.wait_dma2 semaphore(%arg7 : memref<!tpu.dma_semaphore, #tpu.memory_space<semaphore_mem>>) src(%dma_wait3A_103 : memref<200x128xf32, #tpu.memory_space<hbm>>) dst(%arg5 : memref<200x128xf32, #tpu.memory_space<vmem>>)
        %add3A_104 = arith.constant 1 : i32
        %add3A_105 = arith.addi %add3A_73, %add3A_104 : i32
        %lt3A_106 = arith.cmpi slt, %add3A_105, %select_n3A_26 : i32
        %convert_element_type3A_107 = arith.extui %lt3A_106 : i1 to i32
        %cond3A_108 = arith.constant 0 : i32
        %cond3A_109 = arith.cmpi ne, %convert_element_type3A_107, %cond3A_108 : i32
        scf.if %cond3A_109 {
          %add3A_116 = arith.constant 1 : i32
          %add3A_117 = arith.addi %add3A_73, %add3A_116 : i32
          %add3A_118 = arith.addi %select_n3A, %arg1 : i32
          %mul3A_119 = arith.constant 16 : i32
          %mul3A_120 = arith.muli %add3A_117, %mul3A_119 : i32
          %add3A_121 = arith.addi %add3A_118, %mul3A_120 : i32
          %mul3A_122 = arith.constant 200 : i32
          %mul3A_123 = arith.muli %add3A_121, %mul3A_122 : i32
          %dma_start3A_124 = arith.constant 0 : i32
          %dma_start3A_125 = tpu.memref_slice %arg2[%mul3A_123, %dma_start3A_124] : memref<100000x256xf32, #tpu.memory_space<hbm>> -> memref<200x128xf32, #tpu.memory_space<hbm>>
          %dma_start3A_126 = arith.constant 0 : i32
          %dma_start3A_127 = tpu.memref_slice %arg2[%mul3A_123, %dma_start3A_126] : memref<100000x256xf32, #tpu.memory_space<hbm>> -> memref<200x128xf32, #tpu.memory_space<hbm>>
          tpu.enqueue_dma source(%dma_start3A_127 : memref<200x128xf32, #tpu.memory_space<hbm>>) target(%arg4 : memref<200x128xf32, #tpu.memory_space<vmem>>) target_semaphore(%arg6 : memref<!tpu.dma_semaphore, #tpu.memory_space<semaphore_mem>>)
        } else {
        }
        %add3A_110 = arith.addi %select_n3A, %arg1 : i32
        %mul3A_111 = arith.constant 16 : i32
        %mul3A_112 = arith.muli %add3A_73, %mul3A_111 : i32
        %add3A_113 = arith.addi %add3A_110, %mul3A_112 : i32
        %mul3A_114 = arith.constant 200 : i32
        %mul3A_115 = arith.muli %add3A_113, %mul3A_114 : i32
        "tpu.region"() ({
          %run_scoped3A = tpu.sem_alloc : memref<!tpu.dma_semaphore, #tpu.memory_space<semaphore_mem>>
          %dma_start3A_116 = arith.constant 0 : i32
          %dma_start3A_117 = tpu.memref_slice %arg3[%mul3A_115, %dma_start3A_116] : memref<100000x128xf32, #tpu.memory_space<hbm>> -> memref<200x128xf32, #tpu.memory_space<hbm>>
          %dma_start3A_118 = arith.constant 0 : i32
          %dma_start3A_119 = tpu.memref_slice %arg3[%mul3A_115, %dma_start3A_118] : memref<100000x128xf32, #tpu.memory_space<hbm>> -> memref<200x128xf32, #tpu.memory_space<hbm>>
          tpu.enqueue_dma source(%arg5 : memref<200x128xf32, #tpu.memory_space<vmem>>) target(%dma_start3A_119 : memref<200x128xf32, #tpu.memory_space<hbm>>) target_semaphore(%run_scoped3A : memref<!tpu.dma_semaphore, #tpu.memory_space<semaphore_mem>>)
          %dma_wait3A_120 = arith.constant 0 : i32
          %dma_wait3A_121 = tpu.memref_slice %arg3[%mul3A_115, %dma_wait3A_120] : memref<100000x128xf32, #tpu.memory_space<hbm>> -> memref<200x128xf32, #tpu.memory_space<hbm>>
          %dma_wait3A_122 = arith.constant 0 : i32
          %dma_wait3A_123 = tpu.memref_slice %arg3[%mul3A_115, %dma_wait3A_122] : memref<100000x128xf32, #tpu.memory_space<hbm>> -> memref<200x128xf32, #tpu.memory_space<hbm>>
          tpu.wait_dma2 semaphore(%run_scoped3A : memref<!tpu.dma_semaphore, #tpu.memory_space<semaphore_mem>>) src(%arg5 : memref<200x128xf32, #tpu.memory_space<vmem>>) dst(%dma_wait3A_123 : memref<200x128xf32, #tpu.memory_space<hbm>>)
          tpu.yield
        }) : () -> ()
      } else {
      }
    }
    return
  }
}

module attributes {stable_mosaic.version = 14 : i64} {
  func.func @_off_body(%arg0: i32, %arg1: memref<1000x128xf32, #tpu.memory_space<vmem>>, %arg2: memref<1000x128xf32, #tpu.memory_space<vmem>>) attributes {dimension_semantics = [#tpu.dimension_semantics<arbitrary>], iteration_bounds = array<i64: 100>, scalar_prefetch = 0 : i64, scratch_operands = 0 : i64, tpu.core_type = #tpu.core_type<tc>, window_params = [{transform_indices = @transform_0, window_bounds = array<i64: 1000, 128>}, {transform_indices = @transform_1, window_bounds = array<i64: 1000, 128>}]} {
    %get3A = arith.constant 0 : index
    %get3A_0 = arith.constant 0 : index
    %get3A_1 = vector.load %arg1[%get3A, %get3A_0] : memref<1000x128xf32, #tpu.memory_space<vmem>>, vector<1000x128xf32>
    %max3A = arith.constant 0.000000e+00 : f32
    %max3A_2 = vector.broadcast %max3A : f32 to vector<1000x128xf32>
    %max3A_3 = arith.maximumf %get3A_1, %max3A_2 : vector<1000x128xf32>
    %add3A = arith.constant 9.99999997E-7 : f32
    %add3A_4 = vector.broadcast %add3A : f32 to vector<1000x128xf32>
    %add3A_5 = arith.addf %max3A_3, %add3A_4 : vector<1000x128xf32>
    %swap3A = arith.constant 0 : index
    %swap3A_6 = arith.constant 0 : index
    %swap3A_7 = vector.load %arg2[%swap3A, %swap3A_6] : memref<1000x128xf32, #tpu.memory_space<vmem>>, vector<1000x128xf32>
    tpu.vector_store %arg2[%swap3A, %swap3A_6], %add3A_5 {strides = array<i32>} : memref<1000x128xf32, #tpu.memory_space<vmem>>, vector<1000x128xf32>,
    return
  }
  func.func @transform_0(%arg0: i32) -> (i32, i32) {
    %c1_i32 = arith.constant 1 : i32
    %c0_i32 = arith.constant 0 : i32
    return %arg0, %c1_i32 : i32, i32
  }
  func.func @transform_1(%arg0: i32) -> (i32, i32) {
    %c0_i32 = arith.constant 0 : i32
    %c0_i32_0 = arith.constant 0 : i32
    return %arg0, %c0_i32 : i32, i32
  }
}

</mosaic_0001>

<sc_bundles>
// kernel: kernel.4.cloned.1.call-start
scs
__scs_entry_jumppad:
0x0: {  	(pc) =	sbr.rel $0x88, $3  }
0x1: {  	(tag) =	ssettag $0x0;
	lr =	simm.s32 $0x1  }
0x2: {  	[smem:$0x3FA0] =	sst lr;
	_ =	strace $0xD0000000  }
0x3: {  	_ = 	snop  }
0x4: {  	_ = 	snop  }
0x5: {  	_ = 	snop  }
0x6: {  	_ = 	snop  }
0x7: {  	_ = 	snop  }
__scs_overlays_trampoline_lowered:
0x8: {  	[smem:$0x3FAF] =	sst s0  }
0x9: {  	[smem:$0x3FB0] =	sst s1  }
0xa: {  	[smem:$0x3FB1] =	sst s2  }
0xb: {  	[smem:$0x3FB2] =	sst s3  }
0xc: {  	[smem:$0x3FB3] =	sst s4  }
0xd: {  	[smem:$0x3FB4] =	sst s5  }
0xe: {  	[smem:$0x3FB5] =	sst s6  }
0xf: {  	[smem:$0x3FB6] =	sst s7  }
0x10: {  	[smem:$0x3FB7] =	sst s8  }
0x11: {  	[smem:$0x3FB8] =	sst s9;
	s0 =	simm.s32 @!p0 $0x0  }
0x12: {  	s1 =	sld [smem:$0x3F9E];
	s0 =	simm.s32 @p0 $0x1  }
0x13: {  	[smem:$0x3FB9] =	sst s0;
	s0 =	simm.s32 @!p1 $0x0  }
0x14: {  	s2 =	sld [smem:$0x3F9D];
	s0 =	simm.s32 @p1 $0x1  }
0x15: {  	[smem:$0x3FBA] =	sst s0;
	s0 =	simm.s32 @!p2 $0x0  }
0x16: {  	s3 =	sld [smem:$0x3FDB];
	s0 =	simm.s32 @p2 $0x1  }
0x17: {  	s4 =	simm.s32 $0x1BF5;
	[smem:$0x3FBC] =	sst s0  }
0x18: {  	s0 =	sld [smem:$0x3F9F];
	_ =	swait.ge [sflag:s4], $0x0  }
0x19: {  	s7 =	sld [smem:$0x3FA0]  }
0x1a: {  	s8 =	sadd.s32 $0xFFFFE003, lr  }
0x1b: {  	s9 =	sadd.s32 $0xFFFFFEF7, lr;
	s5 =	simm.s32 $0xFFFFFFFF;
	p2 =	slt.u32 s8, $0xFFFFF086  }
0x1c: {  	p1 =	slt.u32 s9, $0xF7A;
	s5 =	simm.s32 @!p2 $0x0  }
0x1d: {  	s5 =	simm.s32 @p1 $0x1;
	p0 =	seq.s32 s7, s2  }
0x1e: {  	s7 =	smul.u32 @!p0 $0xF7A, s2;
	p2 =	seq.s32 @!p0 s5, $0x0  }
0x1f: {  	s9 =	smul.u32 $0xF7A, s1;
	s8 =	simm.s32 @!p0 $0x1BF5;
	p2 =	por !p2, p0  }
0x20: {  	[sflag:s8] =	ssyncset.s32 @!p0 $0xFFFFF086;
	s6 =	sadd.s32 @!p0 s3, s7;
	s7 =	simm.s32 @!p0 $0x108  }
0x21: {  	s3 =	sadd.s32 s3, s9;
	s6 =	sadd.s32 @!p0 $0x88, s6;
	s7 =	simm.s32 @p2 $0x1082  }
0x22: {  	[simem:s7], [sflag:s8] =	dma.local @!p0 [hbm:s6], $0xF7A  }
0x23: {  	s9 =	sor.u32 $0xD0000000, s2;
	s6 =	simm.s32 $0x108;
	_ =	swait.ge @!p0 [sflag:s8], $0x0  }
0x24: {  	s3 =	sadd.s32 $0x88, s3;
	s6 =	simm.s32 @!p1 $0x1082;
	[sflag:s4] =	ssyncset.s32 $0xFFFFF086  }
0x25: {  	[simem:s6], [sflag:s4] =	dma.local [hbm:s3], $0xF7A  }
0x26: {  	[smem:$0x3FA0] =	sst s1;
	(tag) =	ssettag s2;
	_ =	strace s9  }
0x27: {  	s1 =	sld [smem:$0x3FB0]  }
0x28: {  	s2 =	sld [smem:$0x3FB1]  }
0x29: {  	s4 =	sld [smem:$0x3FB3]  }
0x2a: {  	p0 =	seq.s32 s5, $0x0;
	s5 =	sld [smem:$0x3FB4]  }
0x2b: {  	s6 =	sld [smem:$0x3FB5]  }
0x2c: {  	s7 =	sld [smem:$0x3FB6]  }
0x2d: {  	s3 =	simm.s32 $0x108;
	s8 =	sld [smem:$0x3FB7]  }
0x2e: {  	s3 =	simm.s32 @!p0 $0x1082;
	s9 =	sld [smem:$0x3FB8]  }
0x2f: {  	lr =	sadd.s32 s0, s3;
	s0 =	sld [smem:$0x3FAF]  }
0x30: {  	s3 =	sld [smem:$0x3FB2]  }
0x31: {  	[smem:$0x3FBB] =	sst s10  }
0x32: {  	s10 =	sld [smem:$0x3FB9];
	_ =	sdelay $0x3  }
0x33: {  	p0 =	seq.s32 s10, $0x1;
	s10 =	sld [smem:$0x3FBB];
	_ =	sdelay $0x3  }
0x34: {  	[smem:$0x3FBB] =	sst s10  }
0x35: {  	s10 =	sld [smem:$0x3FBA];
	_ =	sdelay $0x3  }
0x36: {  	p1 =	seq.s32 s10, $0x1;
	s10 =	sld [smem:$0x3FBB];
	_ =	sdelay $0x3  }
0x37: {  	[smem:$0x3FBB] =	sst s10  }
0x38: {  	s10 =	sld [smem:$0x3FBC]  }
0x39: {  	_ = 	snop;
	(pc) =	sbr.ind lr, $3  }
0x3a: {  	_ = 	snop  }
0x3b: {  	_ = 	snop  }
0x3c: {  	p2 =	seq.s32 s10, $0x1;
	s10 =	sld [smem:$0x3FBB]  }
0x3d: {  	_ =	shalt  }
0x3e: {  	_ =	shalt  }
0x3f: {  	_ =	shalt  }
0x40: {  	_ =	shalt  }
0x41: {  	_ =	shalt  }
0x42: {  	_ =	shalt  }
0x43: {  	_ =	shalt  }
0x44: {  	_ =	shalt  }
0x45: {  	_ =	shalt  }
0x46: {  	_ =	shalt  }
0x47: {  	_ =	shalt  }
0x48: {  	_ =	shalt  }
0x49: {  	_ =	shalt  }
0x4a: {  	_ =	shalt  }
0x4b: {  	_ =	shalt  }
0x4c: {  	_ =	shalt  }
0x4d: {  	_ =	shalt  }
0x4e: {  	_ =	shalt  }
0x4f: {  	_ =	shalt  }
0x50: {  	_ =	shalt  }
0x51: {  	_ =	shalt  }
0x52: {  	_ =	shalt  }
0x53: {  	_ =	shalt  }
0x54: {  	_ =	shalt  }
0x55: {  	_ =	shalt  }
0x56: {  	_ =	shalt  }
0x57: {  	_ =	shalt  }
0x58: {  	_ =	shalt  }
0x59: {  	_ =	shalt  }
0x5a: {  	_ =	shalt  }
0x5b: {  	_ =	shalt  }
0x5c: {  	_ =	shalt  }
0x5d: {  	_ =	shalt  }
0x5e: {  	_ =	shalt  }
0x5f: {  	_ =	shalt  }
0x60: {  	_ =	shalt  }
0x61: {  	_ =	shalt  }
0x62: {  	_ =	shalt  }
0x63: {  	_ =	shalt  }
0x64: {  	_ =	shalt  }
0x65: {  	_ =	shalt  }
0x66: {  	_ =	shalt  }
0x67: {  	_ =	shalt  }
0x68: {  	_ =	shalt  }
0x69: {  	_ =	shalt  }
0x6a: {  	_ =	shalt  }
0x6b: {  	_ =	shalt  }
0x6c: {  	_ =	shalt  }
0x6d: {  	_ =	shalt  }
0x6e: {  	_ =	shalt  }
0x6f: {  	_ =	shalt  }
0x70: {  	_ =	shalt  }
0x71: {  	_ =	shalt  }
0x72: {  	_ =	shalt  }
0x73: {  	_ =	shalt  }
0x74: {  	_ =	shalt  }
0x75: {  	_ =	shalt  }
0x76: {  	_ =	shalt  }
0x77: {  	_ =	shalt  }
0x78: {  	_ =	shalt  }
0x79: {  	_ =	shalt  }
0x7a: {  	_ =	shalt  }
0x7b: {  	_ =	shalt  }
0x7c: {  	_ =	shalt  }
0x7d: {  	_ =	shalt  }
0x7e: {  	_ =	shalt  }
0x7f: {  	_ =	shalt  }
0x80: {  	_ =	shalt  }
0x81: {  	_ =	shalt  }
0x82: {  	_ =	shalt  }
0x83: {  	_ =	shalt  }
0x84: {  	_ =	shalt  }
0x85: {  	_ =	shalt  }
0x86: {  	_ =	shalt  }
0x87: {  	_ =	shalt  }
.Lfunc_end0:
.L_simem_size_0:
called_computation_lowered:
.L_overlay_start_0:
0x88: {  	s2 =	sld [smem:$0x3FD9]  }
0x89: {  	s3 =	sld [smem:$0x3FFE];
	_ =	sdelay $0x1  }
0x8a: {  	s1 =	srdreg.scid  }
0x8b: {  	s0 =	sand.u32 $0x1, s1  }
0x8c: {  	s15 =	sshll.u32 s0, $0xA;
	s2 =	sadd.s32 s3, s2  }
0x8d: {  	s2 =	sadd.s32 s2, s15  }
0x8e: {  	[smem:$0x3FC7] =	sst s2  }
0x8f: {  	_ = 	snop  }
0x90: {  	s2 =	sld [smem:$0x3FD0];
	_ =	sdelay $0x2  }
0x91: {  	s4 =	simm.s32 $0xA;
	s5 =	simm.s32 $0x10;
	s16 =	sld [smem:$0x3FC9]  }
0x92: {  	[smem:s5], [sflag:s4] =	dma.local [hbm:s2], $0x1  }
0x93: {  	_ =	swait.eq [sflag:s4], $0x1  }
0x94: {  	[sflag:s4] =	ssyncset.done $0x0  }
0x95: {  	[sflag:s4] =	ssyncadd.s32 $0xFFFFFFFF  }
0x96: {  	s17 =	sld [smem:$0x10];
	(tm) =	ssettm $0x1  }
0x97: {  	s18 =	sld [smem:$0x3FFB];
	_ =	sdelay $0x3  }
0x98: {  	_ =	strace s18  }
0x99: {  	s4 =	sld [smem:$0x3FFC];
	_ =	sdelay $0x3  }
0x9a: {  	_ =	strace s4  }
0x9b: {  	s4 =	sld [smem:$0x3FFD];
	_ =	sdelay $0x3  }
0x9c: {  	_ =	strace s4  }
0x9d: {  	_ =	strace $0x8FFFFFFF  }
0x9e: {  	s19 =	sld [smem:$0x3FDB];
	_ =	sdelay $0x1  }
0x9f: {  	s20 =	simm.s32 $_scs_section_size  }
0xa0: {  	s6 =	simm.s32 $_size__tile_overlayer_lowered;
	s7 =	simm.s32 $_tile_overlayer_lowered  }
0xa1: {  	s23 =	simm.s32 $0x1BFF;
	s22 =	sshll.u32 s7, $0x1;
	s4 =	sadd.s32 s20, s19  }
0xa2: {  	s8 =	simm.s32 $0x0;
	s21 =	sshll.u32 s6, $0x1;
	s6 =	sadd.s32 s22, s4  }
0xa3: {  	[timem:s8], [sflag:s23] =	dma.local [hbm:s6], s21  }
0xa4: {  	_ =	swait.ge [sflag:s23], s21  }
0xa5: {  	s5 =	ssub.s32 $0x0, s21;
	[sflag:s23] =	ssyncset.done $0x0  }
0xa6: {  	[sflag:s23] =	ssyncadd.s32 s5;
	_ =	sdelay $0x1  }
0xa7: {  	s24 =	simm.s32 $0x1B8B  }
0xa8: {  	_ =	swait.ge [sflag:s24], $0x1  }
0xa9: {  	[sflag:s24] =	ssyncset.done $0x0  }
0xaa: {  	s25 =	simm.s32 $0x1B8E;
	[sflag:s24] =	ssyncadd.s32 $0xFFFFFFFF  }
0xab: {  	s26 =	simm.s32 $execute0_lowered;
	[smem:$0x3FD2] =	sst s25  }
0xac: {  	s5 =	sshll.u32 s26, $0x1;
	_ =	strace $0x80000046;
	[dreg:$0x1] =	wrdreg $0xFFFFFFFF  }
0xad: {  	s28 =	simm.s32 $_size_execute0_lowered;
	s4 =	sadd.s32 s4, s5;
	[dreg:$0x0] =	wrdreg $0x0  }
0xae: {  	s5 =	sshll.u32 s28, $0x1;
	[dreg:$0x2] =	wrdreg s4  }
0xaf: {  	[dreg:$0x3] =	wrdreg s5  }
0xb0: {  	[dreg:$0x4] =	wrdreg $0xC0  }
0xb1: {  	_ =	task [dreg:s8], $0x5FFFF  }
0xb2: {  	[dreg:$0x1] =	wrdreg $0xFFFFFFFF  }
0xb3: {  	[dreg:$0x0] =	wrdreg $0x60  }
0xb4: {  	[dreg:$0x2] =	wrdreg s16  }
0xb5: {  	[dreg:$0x3] =	wrdreg s17  }
0xb6: {  	[dreg:$0x4] =	wrdreg $0x9  }
0xb7: {  	_ =	task.clear_ibuf [dreg:s8], $0x5FFFF;
	_ =	strace $0x90000046  }
0xb8: {  	s29 =	simm.s32 $0x9;
	_ =	strace $0x80000048  }
0xb9: {  	_ =	swait.ge [sflag:s29], $0x1  }
0xba: {  	[sflag:s29] =	ssyncadd.s32 $0xFFFFFFFF  }
0xbb: {  	_ =	strace $0x90000048  }
0xbc: {  	_ =	sfence  }
0xbd: {  	s30 =	sld [smem:$0x0];
	_ =	sdelay $0x2  }
0xbe: {  	s31 =	sshll.u32 s1, $0xD;
	s1 =	sshrl.u32 s1, $0x2  }
0xbf: {  	s3 =	sand.u32 $0x4000, s31;
	s1 =	sadd.s32 s1, s30  }
0xc0: {  	s0 =	sor.u32 s3, s0;
	s1 =	sshll.u32 s1, $0x11  }
0xc1: {  	s0 =	sor.u32 s1, s0  }
0xc2: {  	s0 =	sadd.s32 $0x8F2B, s0  }
0xc3: {  	[sflag:s0] =	ssyncadd.remote.s32 $0x1  }
0xc4: {  	_ =	sfence.sel $0xFFFF  }
0xc5: {  	[dreg:$0x0] =	wrdreg $0xFFFFFFFF;
	(pc) =	sbr.abs _section_cstart, $3  }
0xc6: {  	[dreg:$0x1] =	wrdreg $0xFFFFFFFF  }
0xc7: {  	_ =	task.clear_ibuf [dreg:s8], $0x2FFFF;
	_ =	strace $0x9FFFFFFF  }
0xc8: {  	(tm) =	ssettm $0x7FFFFFFF  }
0xc9: {  	_ =	shalt  }
tec
execute0_lowered:
.L_overlay_start_1:
0x0: {  	(tag) =	ssettag $0x1  }
0x1: {  	s0 =	srdreg.scid;
	s4 =	rddreg [dreg:$0x0]  }
0x2: {  	s5 =	rddreg [dreg:$0x1];
	s1 =	stileid.u32;
	s9 =	simm.s32 $0x400  }
0x3: {  	s10 =	simm.s32 $0x800;
	s11 =	simm.s32 $0x1;
	s3 =	sand.u32 $0x1, s0  }
0x4: {  	s12 =	simm.s32 $0x6400;
	s13 =	simm.s32 $0x4;
	s0 =	ssub.s32 $0x0, s3  }
0x5: {  	s14 =	simm.s32 $0x2;
	s15 =	simm.s32 $0x3;
	s2 =	sand.u32 $0xFA, s0  }
0x6: {  	s16 =	simm.s32 $0x0;
	p0 =	sgt.u32 s1, $0x9;
	s6 =	sadd.s32 s1, s2  }
0x7: {  	s3 =	ssub.s32 $0x2, s3;
	s2 =	simm.s32 $0x0;
	s7 =	smul.u32 $0x1900, s6  }
0x8: {  	s8 =	sshrl.u32 s3, $0x1;
	[smem:$0x7FF] =	sst s2;
	s6 =	smul.u32 $0xC80, s6  }
0x9: {  	s0 =	rddreg [dreg:$0x2];
	s8 =	ssub.s32 s3, s8;
	_ =	strace $0x80000047  }
0xa: {  	s3 =	sadd.s32 s4, s7;
	s4 =	smax.u32 s8, $0x1;
	s5 =	sadd.s32 s6, s5  }
0xb: {  	s6 =	sadd.s32 $0x177000, s3;
	s7 =	sadd.s32 $0xAF000, s5;
	s8 =	sadd.s32 $0xBB800, s5  }
.LBB2_1:
0xc: {  	[tilespmem:s2], [sflag:$0x1] =	stream.strided.gather [hbm4b:s3+s9], $0x6400, s10, s9, $0x38;
	[tilespmem:$0xC800] =	vst v63  }
0xd: {  	_ =	swait.ge [sflag:s11], $0x6400  }
0xe: {  	s17 =	sadd.s32 $0x0, s3;
	[sflag:s11] =	ssyncset.done $0x0  }
0xf: {  	s18 =	sadd.s32 $0x19000, s17;
	[sflag:s11] =	ssyncadd.s32 $0xFFFF9C00  }
0x10: {  	[tilespmem:s12], [sflag:$0x2] =	stream.strided.gather [hbm4b:s18+s9], $0x6400, s10, s9, $0x38;
	[tilespmem:$0xC800] =	vst v63  }
0x11: {  	_ = 	snop  }
0x12: {  	[hbm4b:s5+s2] =	stream.linear.scatter [tilespmem:s2], [sflag:$0x4], $0x6400, $0x38;
	[tilespmem:$0xC800] =	vst v63  }
0x13: {  	_ =	swait.ge [sflag:s13], $0x6400  }
0x14: {  	[sflag:s13] =	ssyncset.done $0x0  }
0x15: {  	[sflag:s13] =	ssyncadd.s32 $0xFFFF9C00  }
0x16: {  	_ =	swait.ge [sflag:s14], $0x6400  }
0x17: {  	[sflag:s14] =	ssyncset.done $0x0  }
0x18: {  	s17 =	sadd.s32 $0x32000, s17;
	[sflag:s14] =	ssyncadd.s32 $0xFFFF9C00  }
0x19: {  	[tilespmem:s2], [sflag:$0x1] =	stream.strided.gather [hbm4b:s17+s9], $0x6400, s10, s9, $0x38;
	[tilespmem:$0xC800] =	vst v63  }
0x1a: {  	s31 =	sadd.s32 $0xC800, s5  }
0x1b: {  	[hbm4b:s31+s2] =	stream.linear.scatter [tilespmem:s12], [sflag:$0x3], $0x6400, $0x38;
	[tilespmem:$0xC800] =	vst v63  }
0x1c: {  	_ =	swait.ge [sflag:s15], $0x6400  }
0x1d: {  	s18 =	smov.u32 s5;
	s17 =	simm.s32 $0x32000;
	[sflag:s15] =	ssyncset.done $0x0  }
.LBB2_2:
0x1e: {  	p1 =	sne.s32 s17, $0x12C000;
	[sflag:s15] =	ssyncadd.s32 $0xFFFF9C00;
	s18 =	sadd.s32 $0x19000, s18  }
0x1f: {  	s19 =	smov.u32 s17;
	s17 =	sadd.s32 $0x32000, s17  }
0x20: {  	_ =	swait.ge [sflag:s11], $0x6400  }
0x21: {  	s19 =	sadd.s32 s19, s3;
	[sflag:s11] =	ssyncset.done $0x0  }
0x22: {  	s20 =	sadd.s32 $0x19000, s19;
	[sflag:s11] =	ssyncadd.s32 $0xFFFF9C00  }
0x23: {  	[tilespmem:s12], [sflag:$0x2] =	stream.strided.gather [hbm4b:s20+s9], $0x6400, s10, s9, $0x38;
	[tilespmem:$0xC800] =	vst v63  }
0x24: {  	_ = 	snop  }
0x25: {  	[hbm4b:s18+s2] =	stream.linear.scatter [tilespmem:s2], [sflag:$0x4], $0x6400, $0x38;
	[tilespmem:$0xC800] =	vst v63  }
0x26: {  	_ =	swait.ge [sflag:s13], $0x6400  }
0x27: {  	[sflag:s13] =	ssyncset.done $0x0  }
0x28: {  	[sflag:s13] =	ssyncadd.s32 $0xFFFF9C00  }
0x29: {  	_ =	swait.ge [sflag:s14], $0x6400  }
0x2a: {  	[sflag:s14] =	ssyncset.done $0x0  }
0x2b: {  	s19 =	sadd.s32 $0x32000, s19;
	[sflag:s14] =	ssyncadd.s32 $0xFFFF9C00  }
0x2c: {  	[tilespmem:s2], [sflag:$0x1] =	stream.strided.gather [hbm4b:s19+s9], $0x6400, s10, s9, $0x38;
	[tilespmem:$0xC800] =	vst v63  }
.Ltmp0:
0x2d: {  	_ = 	snop;
	(pc) =	sbr.rel @p1 .LBB2_2-.Ltmp0, $4  }
0x2e: {  	s19 =	sadd.s32 $0xC800, s18  }
0x2f: {  	[hbm4b:s19+s2] =	stream.linear.scatter [tilespmem:s12], [sflag:$0x3], $0x6400, $0x38;
	[tilespmem:$0xC800] =	vst v63  }
0x30: {  	_ =	swait.ge [sflag:s15], $0x6400  }
0x31: {  	[sflag:s15] =	ssyncset.done $0x0  }
0x32: {  	[sflag:s15] =	ssyncadd.s32 $0xFFFF9C00  }
0x33: {  	_ =	swait.ge [sflag:s11], $0x6400  }
0x34: {  	[sflag:s11] =	ssyncset.done $0x0  }
0x35: {  	s17 =	simm.s32 @p0 $0x0;
	[sflag:s11] =	ssyncadd.s32 $0xFFFF9C00  }
0x36: {  	[hbm4b:s7+s17] =	stream.linear.scatter @p0 [tilespmem:s17], [sflag:$0x4], $0x6400, $0x38;
	[tilespmem:$0xC800] =	vst v63  }
0x37: {  	s18 =	simm.s32 @!p0 $0x800;
	s19 =	simm.s32 @!p0 $0x6400;
	s17 =	simm.s32 @!p0 $0x400  }
0x38: {  	[tilespmem:s19], [sflag:$0x2] =	stream.strided.gather @!p0 [hbm4b:s6+s17], $0x6400, s18, s17, $0x38;
	[tilespmem:$0xC800] =	vst v63  }
0x39: {  	s17 =	simm.s32 @!p0 $0x0;
	s18 =	simm.s32 @!p0 $0x4  }
0x3a: {  	[hbm4b:s7+s17] =	stream.linear.scatter @!p0 [tilespmem:s17], [sflag:$0x4], $0x6400, $0x38;
	[tilespmem:$0xC800] =	vst v63  }
0x3b: {  	_ =	swait.ge @!p0 [sflag:s18], $0x6400  }
0x3c: {  	[sflag:s18] =	ssyncset.done @!p0 $0x0  }
0x3d: {  	[sflag:s18] =	ssyncadd.s32 @!p0 $0xFFFF9C00;
	s18 =	simm.s32 @!p0 $0x2  }
0x3e: {  	_ =	swait.ge @!p0 [sflag:s18], $0x6400  }
0x3f: {  	s16 =	sadd.s32 $0x1, s16;
	[sflag:s18] =	ssyncset.done @!p0 $0x0  }
0x40: {  	p1 =	sne.s32 s16, s4;
	[sflag:s18] =	ssyncadd.s32 @!p0 $0xFFFF9C00  }
0x41: {  	[hbm4b:s8+s17] =	stream.linear.scatter @!p0 [tilespmem:s19], [sflag:$0x3], $0x6400, $0x38;
	[tilespmem:$0xC800] =	vst v63  }
.Ltmp1:
0x42: {  	s17 =	simm.s32 @!p0 $0x3;
	(pc) =	sbr.rel @p1 .LBB2_1-.Ltmp1, $4  }
0x43: {  	s17 =	simm.s32 @p0 $0x4  }
0x44: {  	_ =	swait.ge [sflag:s17], $0x6400  }
0x45: {  	[sflag:s17] =	ssyncset.done $0x0  }
0x46: {  	[sflag:s17] =	ssyncadd.s32 $0xFFFF9C00  }
0x47: {  	_ =	sfence.sel $0x180000  }
0x48: {  	[bflag:$0x0] =	sbarrier.arrive $0xFFFF  }
0x49: {  	p0 =	sne.s32 s1, $0x0;
	_ =	strace $0x90000047  }
0x4a: {  	s0 =	sadd.s32 @!p0 $0x100000, s0;
	[bflag:$0x2] =	sbarrier.arrive $0xFFFF  }
0x4b: {  	[sflag:s0] =	ssyncadd.tile.s32 @!p0 $0x1;
	_ =	shalt  }
.Lfunc_end2:
_tile_overlayer_lowered:
.L_overlay_start_2:
0x4c: {  	(tag) =	ssettag $0x2  }
0x4d: {  	s0 =	rddreg [dreg:$0x0];
	s2 =	stileid.u32  }
0x4e: {  	s1 =	rddreg [dreg:$0x1];
	p0 =	sne.s32 s2, $0x0  }
0x4f: {  	s3 =	rddreg [dreg:$0x2];
	[bflag:$0x3] =	sbarrier.arrive $0xFFFF;
	s2 =	simm.s32 @!p0 $0x1C03  }
0x50: {  	[timem:s3], [sflag:s2] =	dma.local @!p0 [hbm:s0], s1  }
0x51: {  	s0 =	simm.s32 @!p0 $0x3  }
0x52: {  	_ =	swait.ge @!p0 [sflag:s0], s1  }
0x53: {  	s1 =	ssub.s32 @!p0 $0x0, s1;
	[sflag:s0] =	ssyncset.done @!p0 $0x0  }
0x54: {  	[sflag:s0] =	ssyncadd.s32 @!p0 s1  }
0x55: {  	[bflag:$0x3] =	sbarrier.arrive $0xFFFF  }
0x56: {  	_ =	shalt  }

</sc_bundles>
